<compile_context>
chip_gen: v7x
topology: tpu7x:2x2x1
jax: 0.10.2.dev20260603
libtpu: 0.0.44.dev20260713+nightly
codegen_flags: <defaults>
</compile_context>

<pallas_src>
import functools

import jax
import jax.numpy as jnp
from jax import lax
from jax.experimental import pallas as pl
from jax.experimental.pallas import tpu as pltpu
from jax.experimental.pallas import tpu_sc as plsc


def _gather_last_nodes(features, n_node):
    B = n_node.shape[0]
    D = features.shape[1]
    mesh = plsc.ScalarSubcoreMesh(axis_name="c", num_cores=2)

    @functools.partial(
        pl.kernel,
        out_type=jax.ShapeDtypeStruct((B, D), features.dtype),
        scratch_types=[
            pltpu.SMEM((B,), jnp.int32),
            pltpu.SemaphoreType.DMA,
        ],
        mesh=mesh,
    )
    def body(features_hbm, n_node_hbm, out_hbm, nn_s, sem):
        cid = lax.axis_index("c")
        pltpu.sync_copy(n_node_hbm, nn_s)
        half = B // 2

        def issue_body(g, run):
            run = run + nn_s[g]
            pltpu.make_async_copy(
                features_hbm.at[pl.ds(run - 1, 1)],
                out_hbm.at[pl.ds(g, 1)],
                sem,
            ).start()
            return run

        def accum_body(g, run):
            return run + nn_s[g]

        @pl.when(cid == 0)
        def _():
            lax.fori_loop(0, half, issue_body, jnp.int32(0))
            pltpu.make_async_copy(
                features_hbm.at[pl.ds(0, half)],
                out_hbm.at[pl.ds(0, half)], sem,
            ).wait()

        @pl.when(cid == 1)
        def _():
            run = lax.fori_loop(0, half, accum_body, jnp.int32(0))
            lax.fori_loop(half, B, issue_body, run)
            pltpu.make_async_copy(
                features_hbm.at[pl.ds(0, half)],
                out_hbm.at[pl.ds(half, half)], sem,
            ).wait()

    return body(features, n_node)


def kernel(features, n_node, n_edge, globals, edges, senders, receivers):
    n_node = jnp.reshape(n_node, (-1,)).astype(jnp.int32)
    return _gather_last_nodes(features, n_node)

# --- scband reference (transcript-rebuilt; emitter-appended) ---
"""Pipeline reference for scband-node-graph-model-11098195493607 (READ-ONLY COPY).

The authoritative reference and input builder live on the scoring server;
editing this copy changes nothing except your own understanding.
"""

import jax, jax.numpy as jnp
import numpy as np

N_NODES = 10000
N_EDGES = 320000
N_GRAPHS = 128
D_FEAT = 128
D_EDGE = 16
D_GLOBAL = 64


def setup_inputs(seed: int = 0) -> dict:
    key = jax.random.key(seed)
    ks = jax.random.split(key, 7)
    features = jax.random.normal(ks[0], (N_NODES, D_FEAT), dtype=jnp.float32)
    # per-graph node counts; keep >= 1 so cumsum-1 indices are strictly increasing and >= 0
    n_node = jax.random.randint(ks[1], (N_GRAPHS,), 1, 78).astype(jnp.int64)
    n_edge = jax.random.randint(ks[2], (N_GRAPHS,), 0, 2500).astype(jnp.int64)
    globals_ = jax.random.normal(ks[3], (N_GRAPHS, D_GLOBAL), dtype=jnp.float32)
    edges = jax.random.normal(ks[4], (N_EDGES, D_EDGE), dtype=jnp.float32)
    senders = jax.random.randint(ks[5], (N_EDGES,), 0, N_NODES).astype(jnp.int64)
    receivers = jax.random.randint(ks[6], (N_EDGES,), 0, N_NODES).astype(jnp.int64)
    return {
        'features': features,
        'n_node': n_node,
        'n_edge': n_edge,
        'globals': globals_,
        'edges': edges,
        'senders': senders,
        'receivers': receivers,
    }


def reference(features, n_node, n_edge, globals, edges, senders, receivers):
    # Pack into GraphsTuple-equivalent; base class graph_call is abstract, so
    # it is taken as identity on the graph (nodes unchanged).
    n_node = jnp.reshape(n_node, (-1,))
    n_edge = jnp.reshape(n_edge, (-1,))
    senders = jnp.reshape(senders, (-1,))
    receivers = jnp.reshape(receivers, (-1,))
    nodes = features  # graph.nodes (dict with single feature tensor)
    # gather the last node of each packed graph (per-graph pooling)
    node_ids = jnp.cumsum(n_node) - 1
    return jnp.take(nodes, node_ids, axis=0)

if __name__ == "__main__":
    import jax
    _d = setup_inputs()
    print(jax.jit(kernel)(*tuple(_d.values())))

</pallas_src>

<mosaic_0001>
#map = affine_map<(d0) -> (0, 0)>
#map1 = affine_map<(d0) -> (0)>
module attributes {stable_mosaic.version = 14 : i64} {
  func.func @body(%arg0: i32, %arg1: memref<10000x128xf32, #tpu.memory_space<hbm>>, %arg2: memref<128xi32, #tpu.memory_space<hbm>>, %arg3: memref<128x128xf32, #tpu.memory_space<hbm>>, %arg4: memref<128xi32, #tpu.memory_space<smem>>, %arg5: memref<!tpu.dma_semaphore, #tpu.memory_space<semaphore_mem>>) attributes {dimension_semantics = [#tpu.dimension_semantics<core_parallel>], iteration_bounds = array<i64: 2>, scalar_prefetch = 0 : i64, scratch_operands = 2 : i64, tpu.core_type = #tpu.core_type<sc_scalar_subcore>, window_params = [{transform_indices = #map}, {transform_indices = #map1}, {transform_indices = #map}]} {
    "tpu.region"() ({
      %run_scoped3A = tpu.sem_alloc : memref<!tpu.dma_semaphore, #tpu.memory_space<semaphore_mem>>
      tpu.enqueue_dma source(%arg2 : memref<128xi32, #tpu.memory_space<hbm>>) target(%arg4 : memref<128xi32, #tpu.memory_space<smem>>) target_semaphore(%run_scoped3A : memref<!tpu.dma_semaphore, #tpu.memory_space<semaphore_mem>>)
      tpu.wait_dma2 semaphore(%run_scoped3A : memref<!tpu.dma_semaphore, #tpu.memory_space<semaphore_mem>>) src(%arg2 : memref<128xi32, #tpu.memory_space<hbm>>) dst(%arg4 : memref<128xi32, #tpu.memory_space<smem>>)
      tpu.yield
    }) : () -> ()
    %eq3A = arith.constant 0 : i32
    %eq3A_0 = arith.cmpi eq, %arg0, %eq3A : i32
    %convert_element_type3A = arith.extui %eq3A_0 : i1 to i32
    %cond3A = arith.constant 0 : i32
    %cond3A_1 = arith.cmpi ne, %convert_element_type3A, %cond3A : i32
    scf.if %cond3A_1 {
      %scan3A = arith.constant 0 : i32
      %scan3A_7 = arith.constant 0 : i32
      %scan3A_8 = arith.constant 64 : i32
      %scan3A_9 = arith.addi %scan3A_7, %scan3A_8 : i32
      %scan3A_10 = arith.constant 1 : i32
      %scan3A_11 = scf.for %scan3A_18 = %scan3A_7 to %scan3A_9 step %scan3A_10 iter_args(%scan3A_19 = %scan3A) -> (i32)  : i32 {
        %get3A = arith.index_cast %scan3A_18 : i32 to index
        %get3A_20 = memref.load %arg4[%get3A] : memref<128xi32, #tpu.memory_space<smem>>
        %add3A = arith.addi %scan3A_19, %get3A_20 : i32
        %sub3A = arith.constant 1 : i32
        %sub3A_21 = arith.subi %add3A, %sub3A : i32
        %dma_start3A = arith.constant 0 : i32
        %dma_start3A_22 = tpu.memref_slice %arg3[%scan3A_18, %dma_start3A] : memref<128x128xf32, #tpu.memory_space<hbm>> -> memref<1x128xf32, #tpu.memory_space<hbm>>
        %dma_start3A_23 = arith.constant 0 : i32
        %dma_start3A_24 = tpu.memref_slice %arg1[%sub3A_21, %dma_start3A_23] : memref<10000x128xf32, #tpu.memory_space<hbm>> -> memref<1x128xf32, #tpu.memory_space<hbm>>
        tpu.enqueue_dma source(%dma_start3A_24 : memref<1x128xf32, #tpu.memory_space<hbm>>) target(%dma_start3A_22 : memref<1x128xf32, #tpu.memory_space<hbm>>) target_semaphore(%arg5 : memref<!tpu.dma_semaphore, #tpu.memory_space<semaphore_mem>>)
        scf.yield %add3A : i32
      }
      %scan3A_12 = arith.constant 64 : i32
      %dma_wait3A = arith.constant 0 : i32
      %dma_wait3A_13 = arith.constant 0 : i32
      %dma_wait3A_14 = tpu.memref_slice %arg3[%dma_wait3A, %dma_wait3A_13] : memref<128x128xf32, #tpu.memory_space<hbm>> -> memref<64x128xf32, #tpu.memory_space<hbm>>
      %dma_wait3A_15 = arith.constant 0 : i32
      %dma_wait3A_16 = arith.constant 0 : i32
      %dma_wait3A_17 = tpu.memref_slice %arg1[%dma_wait3A_15, %dma_wait3A_16] : memref<10000x128xf32, #tpu.memory_space<hbm>> -> memref<64x128xf32, #tpu.memory_space<hbm>>
      tpu.wait_dma2 semaphore(%arg5 : memref<!tpu.dma_semaphore, #tpu.memory_space<semaphore_mem>>) src(%dma_wait3A_17 : memref<64x128xf32, #tpu.memory_space<hbm>>) dst(%dma_wait3A_14 : memref<64x128xf32, #tpu.memory_space<hbm>>)
    } else {
    }
    %eq3A_2 = arith.constant 1 : i32
    %eq3A_3 = arith.cmpi eq, %arg0, %eq3A_2 : i32
    %convert_element_type3A_4 = arith.extui %eq3A_3 : i1 to i32
    %cond3A_5 = arith.constant 0 : i32
    %cond3A_6 = arith.cmpi ne, %convert_element_type3A_4, %cond3A_5 : i32
    scf.if %cond3A_6 {
      %scan3A = arith.constant 0 : i32
      %scan3A_7 = arith.constant 0 : i32
      %scan3A_8 = arith.constant 64 : i32
      %scan3A_9 = arith.addi %scan3A_7, %scan3A_8 : i32
      %scan3A_10 = arith.constant 1 : i32
      %scan3A_11 = scf.for %scan3A_24 = %scan3A_7 to %scan3A_9 step %scan3A_10 iter_args(%scan3A_25 = %scan3A) -> (i32)  : i32 {
        %get3A = arith.index_cast %scan3A_24 : i32 to index
        %get3A_26 = memref.load %arg4[%get3A] : memref<128xi32, #tpu.memory_space<smem>>
        %add3A = arith.addi %scan3A_25, %get3A_26 : i32
        scf.yield %add3A : i32
      }
      %scan3A_12 = arith.constant 64 : i32
      %scan3A_13 = arith.constant 64 : i32
      %scan3A_14 = arith.constant 64 : i32
      %scan3A_15 = arith.addi %scan3A_13, %scan3A_14 : i32
      %scan3A_16 = arith.constant 1 : i32
      %scan3A_17 = scf.for %scan3A_24 = %scan3A_13 to %scan3A_15 step %scan3A_16 iter_args(%scan3A_25 = %scan3A_11) -> (i32)  : i32 {
        %get3A = arith.index_cast %scan3A_24 : i32 to index
        %get3A_26 = memref.load %arg4[%get3A] : memref<128xi32, #tpu.memory_space<smem>>
        %add3A = arith.addi %scan3A_25, %get3A_26 : i32
        %sub3A = arith.constant 1 : i32
        %sub3A_27 = arith.subi %add3A, %sub3A : i32
        %dma_start3A = arith.constant 0 : i32
        %dma_start3A_28 = tpu.memref_slice %arg3[%scan3A_24, %dma_start3A] : memref<128x128xf32, #tpu.memory_space<hbm>> -> memref<1x128xf32, #tpu.memory_space<hbm>>
        %dma_start3A_29 = arith.constant 0 : i32
        %dma_start3A_30 = tpu.memref_slice %arg1[%sub3A_27, %dma_start3A_29] : memref<10000x128xf32, #tpu.memory_space<hbm>> -> memref<1x128xf32, #tpu.memory_space<hbm>>
        tpu.enqueue_dma source(%dma_start3A_30 : memref<1x128xf32, #tpu.memory_space<hbm>>) target(%dma_start3A_28 : memref<1x128xf32, #tpu.memory_space<hbm>>) target_semaphore(%arg5 : memref<!tpu.dma_semaphore, #tpu.memory_space<semaphore_mem>>)
        scf.yield %add3A : i32
      }
      %scan3A_18 = arith.constant 64 : i32
      %dma_wait3A = arith.constant 64 : i32
      %dma_wait3A_19 = arith.constant 0 : i32
      %dma_wait3A_20 = tpu.memref_slice %arg3[%dma_wait3A, %dma_wait3A_19] : memref<128x128xf32, #tpu.memory_space<hbm>> -> memref<64x128xf32, #tpu.memory_space<hbm>>
      %dma_wait3A_21 = arith.constant 0 : i32
      %dma_wait3A_22 = arith.constant 0 : i32
      %dma_wait3A_23 = tpu.memref_slice %arg1[%dma_wait3A_21, %dma_wait3A_22] : memref<10000x128xf32, #tpu.memory_space<hbm>> -> memref<64x128xf32, #tpu.memory_space<hbm>>
      tpu.wait_dma2 semaphore(%arg5 : memref<!tpu.dma_semaphore, #tpu.memory_space<semaphore_mem>>) src(%dma_wait3A_23 : memref<64x128xf32, #tpu.memory_space<hbm>>) dst(%dma_wait3A_20 : memref<64x128xf32, #tpu.memory_space<hbm>>)
    } else {
    }
    return
  }
}

</mosaic_0001>

<sc_bundles>
// kernel: kernel.3.cloned.1.call-start
scs
__scs_entry_jumppad:
0x0: {  	(pc) =	sbr.rel $0x88, $3  }
0x1: {  	(tag) =	ssettag $0x0;
	lr =	simm.s32 $0x1  }
0x2: {  	[smem:$0x3F9F] =	sst lr;
	_ =	strace $0xD0000000  }
0x3: {  	_ = 	snop  }
0x4: {  	_ = 	snop  }
0x5: {  	_ = 	snop  }
0x6: {  	_ = 	snop  }
0x7: {  	_ = 	snop  }
__scs_overlays_trampoline_lowered:
0x8: {  	[smem:$0x3FAE] =	sst s0  }
0x9: {  	[smem:$0x3FAF] =	sst s1  }
0xa: {  	[smem:$0x3FB0] =	sst s2  }
0xb: {  	[smem:$0x3FB1] =	sst s3  }
0xc: {  	[smem:$0x3FB2] =	sst s4  }
0xd: {  	[smem:$0x3FB3] =	sst s5  }
0xe: {  	[smem:$0x3FB4] =	sst s6  }
0xf: {  	[smem:$0x3FB5] =	sst s7  }
0x10: {  	[smem:$0x3FB6] =	sst s8  }
0x11: {  	[smem:$0x3FB7] =	sst s9;
	s0 =	simm.s32 @!p0 $0x0  }
0x12: {  	s1 =	sld [smem:$0x3F9D];
	s0 =	simm.s32 @p0 $0x1  }
0x13: {  	[smem:$0x3FB8] =	sst s0;
	s0 =	simm.s32 @!p1 $0x0  }
0x14: {  	s2 =	sld [smem:$0x3F9C];
	s0 =	simm.s32 @p1 $0x1  }
0x15: {  	[smem:$0x3FB9] =	sst s0;
	s0 =	simm.s32 @!p2 $0x0  }
0x16: {  	s3 =	sld [smem:$0x3FDB];
	s0 =	simm.s32 @p2 $0x1  }
0x17: {  	s4 =	simm.s32 $0x1BF5;
	[smem:$0x3FBB] =	sst s0  }
0x18: {  	s0 =	sld [smem:$0x3F9E];
	_ =	swait.ge [sflag:s4], $0x0  }
0x19: {  	s7 =	sld [smem:$0x3F9F]  }
0x1a: {  	s8 =	sadd.s32 $0xFFFFE003, lr  }
0x1b: {  	s9 =	sadd.s32 $0xFFFFFEF7, lr;
	s5 =	simm.s32 $0xFFFFFFFF;
	p2 =	slt.u32 s8, $0xFFFFF086  }
0x1c: {  	p1 =	slt.u32 s9, $0xF7A;
	s5 =	simm.s32 @!p2 $0x0  }
0x1d: {  	s5 =	simm.s32 @p1 $0x1;
	p0 =	seq.s32 s7, s2  }
0x1e: {  	s7 =	smul.u32 @!p0 $0xF7A, s2;
	p2 =	seq.s32 @!p0 s5, $0x0  }
0x1f: {  	s9 =	smul.u32 $0xF7A, s1;
	s8 =	simm.s32 @!p0 $0x1BF5;
	p2 =	por !p2, p0  }
0x20: {  	[sflag:s8] =	ssyncset.s32 @!p0 $0xFFFFF086;
	s6 =	sadd.s32 @!p0 s3, s7;
	s7 =	simm.s32 @!p0 $0x108  }
0x21: {  	s3 =	sadd.s32 s3, s9;
	s6 =	sadd.s32 @!p0 $0x88, s6;
	s7 =	simm.s32 @p2 $0x1082  }
0x22: {  	[simem:s7], [sflag:s8] =	dma.local @!p0 [hbm:s6], $0xF7A  }
0x23: {  	s9 =	sor.u32 $0xD0000000, s2;
	s6 =	simm.s32 $0x108;
	_ =	swait.ge @!p0 [sflag:s8], $0x0  }
0x24: {  	s3 =	sadd.s32 $0x88, s3;
	s6 =	simm.s32 @!p1 $0x1082;
	[sflag:s4] =	ssyncset.s32 $0xFFFFF086  }
0x25: {  	[simem:s6], [sflag:s4] =	dma.local [hbm:s3], $0xF7A  }
0x26: {  	[smem:$0x3F9F] =	sst s1;
	(tag) =	ssettag s2;
	_ =	strace s9  }
0x27: {  	s1 =	sld [smem:$0x3FAF]  }
0x28: {  	s2 =	sld [smem:$0x3FB0]  }
0x29: {  	s4 =	sld [smem:$0x3FB2]  }
0x2a: {  	p0 =	seq.s32 s5, $0x0;
	s5 =	sld [smem:$0x3FB3]  }
0x2b: {  	s6 =	sld [smem:$0x3FB4]  }
0x2c: {  	s7 =	sld [smem:$0x3FB5]  }
0x2d: {  	s3 =	simm.s32 $0x108;
	s8 =	sld [smem:$0x3FB6]  }
0x2e: {  	s3 =	simm.s32 @!p0 $0x1082;
	s9 =	sld [smem:$0x3FB7]  }
0x2f: {  	lr =	sadd.s32 s0, s3;
	s0 =	sld [smem:$0x3FAE]  }
0x30: {  	s3 =	sld [smem:$0x3FB1]  }
0x31: {  	[smem:$0x3FBA] =	sst s10  }
0x32: {  	s10 =	sld [smem:$0x3FB8];
	_ =	sdelay $0x3  }
0x33: {  	p0 =	seq.s32 s10, $0x1;
	s10 =	sld [smem:$0x3FBA];
	_ =	sdelay $0x3  }
0x34: {  	[smem:$0x3FBA] =	sst s10  }
0x35: {  	s10 =	sld [smem:$0x3FB9];
	_ =	sdelay $0x3  }
0x36: {  	p1 =	seq.s32 s10, $0x1;
	s10 =	sld [smem:$0x3FBA];
	_ =	sdelay $0x3  }
0x37: {  	[smem:$0x3FBA] =	sst s10  }
0x38: {  	s10 =	sld [smem:$0x3FBB]  }
0x39: {  	_ = 	snop;
	(pc) =	sbr.ind lr, $3  }
0x3a: {  	_ = 	snop  }
0x3b: {  	_ = 	snop  }
0x3c: {  	p2 =	seq.s32 s10, $0x1;
	s10 =	sld [smem:$0x3FBA]  }
0x3d: {  	_ =	shalt  }
0x3e: {  	_ =	shalt  }
0x3f: {  	_ =	shalt  }
0x40: {  	_ =	shalt  }
0x41: {  	_ =	shalt  }
0x42: {  	_ =	shalt  }
0x43: {  	_ =	shalt  }
0x44: {  	_ =	shalt  }
0x45: {  	_ =	shalt  }
0x46: {  	_ =	shalt  }
0x47: {  	_ =	shalt  }
0x48: {  	_ =	shalt  }
0x49: {  	_ =	shalt  }
0x4a: {  	_ =	shalt  }
0x4b: {  	_ =	shalt  }
0x4c: {  	_ =	shalt  }
0x4d: {  	_ =	shalt  }
0x4e: {  	_ =	shalt  }
0x4f: {  	_ =	shalt  }
0x50: {  	_ =	shalt  }
0x51: {  	_ =	shalt  }
0x52: {  	_ =	shalt  }
0x53: {  	_ =	shalt  }
0x54: {  	_ =	shalt  }
0x55: {  	_ =	shalt  }
0x56: {  	_ =	shalt  }
0x57: {  	_ =	shalt  }
0x58: {  	_ =	shalt  }
0x59: {  	_ =	shalt  }
0x5a: {  	_ =	shalt  }
0x5b: {  	_ =	shalt  }
0x5c: {  	_ =	shalt  }
0x5d: {  	_ =	shalt  }
0x5e: {  	_ =	shalt  }
0x5f: {  	_ =	shalt  }
0x60: {  	_ =	shalt  }
0x61: {  	_ =	shalt  }
0x62: {  	_ =	shalt  }
0x63: {  	_ =	shalt  }
0x64: {  	_ =	shalt  }
0x65: {  	_ =	shalt  }
0x66: {  	_ =	shalt  }
0x67: {  	_ =	shalt  }
0x68: {  	_ =	shalt  }
0x69: {  	_ =	shalt  }
0x6a: {  	_ =	shalt  }
0x6b: {  	_ =	shalt  }
0x6c: {  	_ =	shalt  }
0x6d: {  	_ =	shalt  }
0x6e: {  	_ =	shalt  }
0x6f: {  	_ =	shalt  }
0x70: {  	_ =	shalt  }
0x71: {  	_ =	shalt  }
0x72: {  	_ =	shalt  }
0x73: {  	_ =	shalt  }
0x74: {  	_ =	shalt  }
0x75: {  	_ =	shalt  }
0x76: {  	_ =	shalt  }
0x77: {  	_ =	shalt  }
0x78: {  	_ =	shalt  }
0x79: {  	_ =	shalt  }
0x7a: {  	_ =	shalt  }
0x7b: {  	_ =	shalt  }
0x7c: {  	_ =	shalt  }
0x7d: {  	_ =	shalt  }
0x7e: {  	_ =	shalt  }
0x7f: {  	_ =	shalt  }
0x80: {  	_ =	shalt  }
0x81: {  	_ =	shalt  }
0x82: {  	_ =	shalt  }
0x83: {  	_ =	shalt  }
0x84: {  	_ =	shalt  }
0x85: {  	_ =	shalt  }
0x86: {  	_ =	shalt  }
0x87: {  	_ =	shalt  }
.Lfunc_end0:
.L_simem_size_0:
called_computation_lowered:
.L_overlay_start_0:
0x88: {  	s2 =	sld [smem:$0x3FD9]  }
0x89: {  	s3 =	sld [smem:$0x3FFE];
	_ =	sdelay $0x1  }
0x8a: {  	s1 =	srdreg.scid  }
0x8b: {  	s0 =	sand.u32 $0x1, s1  }
0x8c: {  	s28 =	sshll.u32 s0, $0xA;
	s2 =	sadd.s32 s3, s2  }
0x8d: {  	s2 =	sadd.s32 s2, s28  }
0x8e: {  	s4 =	simm.s32 $0x0;
	[smem:$0x3FC6] =	sst s2  }
0x8f: {  	[smem:$0xF] =	sst s4  }
0x90: {  	s2 =	sld [smem:$0x3FC9]  }
0x91: {  	s5 =	sld [smem:$0x3FC8]  }
0x92: {  	s3 =	sld [smem:$0x3FD0];
	(tm) =	ssettm $0x1  }
0x93: {  	s6 =	sld [smem:$0x3FFB];
	_ =	sdelay $0x3  }
0x94: {  	_ =	strace s6  }
0x95: {  	s6 =	sld [smem:$0x3FFC];
	_ =	sdelay $0x3  }
0x96: {  	_ =	strace s6  }
0x97: {  	s6 =	sld [smem:$0x3FFD];
	_ =	sdelay $0x3  }
0x98: {  	_ =	strace s6  }
0x99: {  	s29 =	simm.s32 $0x1B8B;
	_ =	strace $0x8FFFFFFF  }
0x9a: {  	_ =	swait.ge [sflag:s29], $0x1  }
0x9b: {  	[sflag:s29] =	ssyncset.done $0x0  }
0x9c: {  	s30 =	simm.s32 $0x1B8E;
	[sflag:s29] =	ssyncadd.s32 $0xFFFFFFFF  }
0x9d: {  	s31 =	simm.s32 $0xA;
	[smem:$0x3FD2] =	sst s30  }
0x9e: {  	s7 =	simm.s32 $0x10;
	p0 =	seq.s32 s0, $0x1;
	_ =	strace $0x80000046  }
0x9f: {  	[smem:s7], [sflag:s31] =	dma.local [hbm:s5], $0x10  }
.Ltmp0:
0xa0: {  	_ = 	snop;
	(pc) =	sbr.rel @p0 .LBB1_4-.Ltmp0, $3  }
0xa1: {  	_ =	swait.ge [sflag:s31], $0x10  }
0xa2: {  	[sflag:s31] =	ssyncset.done $0x0  }
0xa3: {  	[sflag:s31] =	ssyncadd.s32 $0xFFFFFFF0  }
0xa4: {  	s5 =	sld [smem:$0x10];
	_ =	sdelay $0x3  }
0xa5: {  	s6 =	sadd.s32 $0x0, s5  }
0xa6: {  	s5 =	sshll.u32 s6, $0x7  }
0xa7: {  	s5 =	sadd.s32 $0xFFFFFF80, s5  }
0xa8: {  	s7 =	sshrl.u32 s5, $0x3  }
0xa9: {  	s5 =	simm.s32 $0x9;
	s7 =	sadd.s32 s2, s7  }
0xaa: {  	[hbm:s3], [sflag:s5] =	dma.local [hbm:s7], $0x10  }
0xab: {  	s8 =	simm.s32 $0x8;
	s7 =	smov.u32 s3;
	s9 =	sld [smem:$0x11]  }
.LBB1_2:
0xac: {  	p0 =	sne.s32 s8, $0xFC;
	_ =	sdelay $0x2  }
0xad: {  	s6 =	sadd.s32 s6, s9  }
0xae: {  	s9 =	sshll.u32 s6, $0x7  }
0xaf: {  	s9 =	sadd.s32 $0xFFFFFF80, s9  }
.Ltmp1:
0xb0: {  	s9 =	sshrl.u32 s9, $0x3;
	(pc) =	sbr.rel @p0 .LBB1_2-.Ltmp1, $3  }
0xb1: {  	s10 =	sshra.s32 s8, $0x2;
	s7 =	sadd.s32 $0x10, s7;
	s9 =	sadd.s32 s2, s9  }
0xb2: {  	[hbm:s7], [sflag:s5] =	dma.local [hbm:s9], $0x10  }
0xb3: {  	s8 =	sadd.s32 $0x4, s8;
	s9 =	sld [smem:s10+$0x10]  }
0xb4: {  	_ =	sdelay $0x2  }
0xb5: {  	s6 =	sadd.s32 s6, s9  }
0xb6: {  	s6 =	sshll.u32 s6, $0x7  }
0xb7: {  	s6 =	sadd.s32 $0xFFFFFF80, s6  }
0xb8: {  	s6 =	sshrl.u32 s6, $0x3  }
0xb9: {  	s7 =	sadd.s32 $0x10, s7;
	p0 =	seq.s32 s0, $0x0;
	s6 =	sadd.s32 s2, s6  }
0xba: {  	[hbm:s7], [sflag:s5] =	dma.local [hbm:s6], $0x10  }
.Ltmp2:
0xbb: {  	s31 =	simm.s32 $0x9;
	(pc) =	sbr.rel @p0 .LBB1_9-.Ltmp2, $3  }
0xbc: {  	_ =	swait.ge [sflag:s31], $0x400  }
0xbd: {  	[sflag:s31] =	ssyncset.done $0x0  }
0xbe: {  	[sflag:s31] =	ssyncadd.s32 $0xFFFFFC00  }
.LBB1_4:
0xbf: {  	s5 =	simm.s32 $0x4;
	s6 =	sld [smem:$0x10]  }
.LBB1_5:
0xc0: {  	p0 =	sne.s32 s5, $0xFC  }
.Ltmp3:
0xc1: {  	_ = 	snop;
	(pc) =	sbr.rel @p0 .LBB1_5-.Ltmp3, $3  }
0xc2: {  	s7 =	sshra.s32 s5, $0x2  }
0xc3: {  	s5 =	sadd.s32 $0x4, s5;
	s4 =	sadd.s32 s4, s6  }
0xc4: {  	s6 =	sld [smem:s7+$0x10]  }
0xc5: {  	s5 =	sld [smem:$0x50];
	_ =	sdelay $0x2  }
0xc6: {  	s4 =	sadd.s32 s4, s6  }
0xc7: {  	s5 =	sadd.s32 s4, s5  }
0xc8: {  	s4 =	sshll.u32 s5, $0x7  }
0xc9: {  	s4 =	sadd.s32 $0xFFFFFF80, s4  }
0xca: {  	s31 =	sshrl.u32 s4, $0x3  }
0xcb: {  	s4 =	sadd.s32 $0x400, s3;
	s3 =	simm.s32 $0x9;
	s6 =	sadd.s32 s2, s31  }
0xcc: {  	[hbm:s4], [sflag:s3] =	dma.local [hbm:s6], $0x10  }
0xcd: {  	s6 =	simm.s32 $0x8;
	s7 =	sld [smem:$0x51]  }
.LBB1_7:
0xce: {  	p0 =	sne.s32 s6, $0xFC;
	_ =	sdelay $0x2  }
0xcf: {  	s5 =	sadd.s32 s5, s7  }
0xd0: {  	s7 =	sshll.u32 s5, $0x7  }
0xd1: {  	s7 =	sadd.s32 $0xFFFFFF80, s7  }
.Ltmp4:
0xd2: {  	s7 =	sshrl.u32 s7, $0x3;
	(pc) =	sbr.rel @p0 .LBB1_7-.Ltmp4, $3  }
0xd3: {  	s8 =	sshra.s32 s6, $0x2;
	s4 =	sadd.s32 $0x10, s4;
	s7 =	sadd.s32 s2, s7  }
0xd4: {  	[hbm:s4], [sflag:s3] =	dma.local [hbm:s7], $0x10  }
0xd5: {  	s6 =	sadd.s32 $0x4, s6;
	s7 =	sld [smem:s8+$0x50]  }
0xd6: {  	_ =	sdelay $0x2  }
0xd7: {  	s5 =	sadd.s32 s5, s7  }
0xd8: {  	s5 =	sshll.u32 s5, $0x7  }
0xd9: {  	s5 =	sadd.s32 $0xFFFFFF80, s5  }
0xda: {  	s5 =	sshrl.u32 s5, $0x3  }
0xdb: {  	s4 =	sadd.s32 $0x10, s4;
	s31 =	simm.s32 $0x9;
	s2 =	sadd.s32 s2, s5  }
0xdc: {  	[hbm:s4], [sflag:s3] =	dma.local [hbm:s2], $0x10  }
0xdd: {  	_ =	swait.ge [sflag:s31], $0x400  }
0xde: {  	[sflag:s31] =	ssyncset.done $0x0  }
0xdf: {  	[sflag:s31] =	ssyncadd.s32 $0xFFFFFC00  }
.LBB1_9:
0xe0: {  	_ =	strace $0x90000046  }
0xe1: {  	_ =	sfence  }
0xe2: {  	s2 =	sld [smem:$0x0];
	_ =	sdelay $0x2  }
0xe3: {  	s3 =	sshll.u32 s1, $0xD;
	s31 =	sshrl.u32 s1, $0x2  }
0xe4: {  	s3 =	sand.u32 $0x4000, s3;
	s1 =	sadd.s32 s31, s2  }
0xe5: {  	s0 =	sor.u32 s3, s0;
	s1 =	sshll.u32 s1, $0x11  }
0xe6: {  	s0 =	sor.u32 s1, s0  }
0xe7: {  	s0 =	sadd.s32 $0x8F2B, s0;
	(pc) =	sbr.abs _section_cstart, $3  }
0xe8: {  	[sflag:s0] =	ssyncadd.remote.s32 $0x1  }
0xe9: {  	_ =	strace $0x9FFFFFFF  }
0xea: {  	(tm) =	ssettm $0x7FFFFFFF  }
0xeb: {  	_ =	shalt  }

</sc_bundles>
